<compile_context>
chip_gen: v7x
topology: tpu7x:2x2x1
jax: 0.10.2.dev20260603
libtpu: 0.0.44.dev20260713+nightly
codegen_flags: <defaults>
</compile_context>

<pallas_src>
import functools

import jax
import jax.numpy as jnp
from jax import lax
from jax.experimental import pallas as pl
from jax.experimental.pallas import tpu as pltpu
from jax.experimental.pallas import tpu_sc as plsc

BATCH = 16384
HIDDEN = 128
NUM_CORES = 2
NUM_SUBCORES = 16
NUM_WORKERS = NUM_CORES * NUM_SUBCORES
ROWS_PER_WORKER = BATCH // NUM_WORKERS
CHUNK = 128
NUM_CHUNKS = ROWS_PER_WORKER // CHUNK

_mesh = plsc.VectorSubcoreMesh(core_axis_name="c", subcore_axis_name="s")


@functools.partial(
    pl.kernel,
    mesh=_mesh,
    out_type=jax.ShapeDtypeStruct((BATCH, HIDDEN), jnp.float32),
    scratch_types=[
        pltpu.VMEM((NUM_CHUNKS, CHUNK), jnp.int32),
        pltpu.VMEM((2, CHUNK, HIDDEN), jnp.float32),
        pltpu.SemaphoreType.DMA,
        pltpu.SemaphoreType.DMA,
        pltpu.SemaphoreType.DMA,
    ],
)
def _embed(labels_hbm, table_hbm, out_hbm, idx_v, rows_v, isem, gsem, osem):
    wid = lax.axis_index("s") * NUM_CORES + lax.axis_index("c")
    base = wid * ROWS_PER_WORKER
    stages = [
        pltpu.async_copy(
            labels_hbm.at[pl.ds(base + j * CHUNK, CHUNK)], idx_v.at[j], isem
        )
        for j in range(NUM_CHUNKS)
    ]
    stages[0].wait()
    pltpu.async_copy(table_hbm.at[idx_v.at[0]], rows_v.at[0], gsem)

    def body(j, carry):
        slot = lax.rem(j, 2)
        nslot = lax.rem(j + 1, 2)

        @pl.when(j >= 1)
        def _():
            pltpu.make_async_copy(
                rows_v.at[nslot], out_hbm.at[pl.ds(base, CHUNK)], osem
            ).wait()

        @pl.when(j + 1 < NUM_CHUNKS)
        def _():
            pltpu.make_async_copy(
                labels_hbm.at[pl.ds(base, CHUNK)], idx_v.at[0], isem
            ).wait()
            pltpu.async_copy(
                table_hbm.at[idx_v.at[j + 1]], rows_v.at[nslot], gsem
            )

        pltpu.make_async_copy(
            table_hbm.at[idx_v.at[j]], rows_v.at[slot], gsem
        ).wait()
        pltpu.async_copy(
            rows_v.at[slot], out_hbm.at[pl.ds(base + j * CHUNK, CHUNK)], osem
        )
        return carry

    lax.fori_loop(0, NUM_CHUNKS, body, 0)
    pltpu.make_async_copy(
        rows_v.at[0], out_hbm.at[pl.ds(base, CHUNK)], osem
    ).wait()


def kernel(labels, table):
    return _embed(labels, table)

# --- scband reference (transcript-rebuilt; emitter-appended) ---
"""Pipeline reference for scband-label-embedder-85306640433191 (READ-ONLY COPY).

The authoritative reference and input builder live on the scoring server;
editing this copy changes nothing except your own understanding.
"""

import jax, jax.numpy as jnp
import numpy as np

NUM_CLASSES = 1000
HIDDEN_SIZE = 128
BATCH = 16384

def setup_inputs(seed: int = 0) -> dict:
    key = jax.random.key(seed)
    k1, k2 = jax.random.split(key)
    labels = jax.random.randint(k1, (BATCH,), 0, NUM_CLASSES, dtype=jnp.int32)
    # nn.Embedding default init: N(0, 1)
    table = jax.random.normal(k2, (NUM_CLASSES, HIDDEN_SIZE), dtype=jnp.float32)
    return {"labels": labels, "table": table}

def reference(labels, table):
    # LabelEmbedder.forward: self.embedding(labels)
    return jnp.take(table, labels, axis=0)

if __name__ == "__main__":
    import jax
    _d = setup_inputs()
    print(jax.jit(kernel)(*tuple(_d.values())))

</pallas_src>

<mosaic_0001>
#map = affine_map<(d0, d1) -> (0)>
#map1 = affine_map<(d0, d1) -> (0, 0)>
module attributes {stable_mosaic.version = 14 : i64} {
  func.func @_embed(%arg0: i32, %arg1: i32, %arg2: memref<16384xi32, #tpu.memory_space<hbm>>, %arg3: memref<1000x128xf32, #tpu.memory_space<hbm>>, %arg4: memref<16384x128xf32, #tpu.memory_space<hbm>>, %arg5: memref<4x128xi32, #tpu.memory_space<vmem>>, %arg6: memref<2x128x128xf32, #tpu.memory_space<vmem>>, %arg7: memref<!tpu.dma_semaphore, #tpu.memory_space<semaphore_mem>>, %arg8: memref<!tpu.dma_semaphore, #tpu.memory_space<semaphore_mem>>, %arg9: memref<!tpu.dma_semaphore, #tpu.memory_space<semaphore_mem>>) attributes {dimension_semantics = [#tpu.dimension_semantics<core_parallel>, #tpu.dimension_semantics<subcore_parallel>], iteration_bounds = array<i64: 2, 16>, scalar_prefetch = 0 : i64, scratch_operands = 5 : i64, tpu.core_type = #tpu.core_type<sc_vector_subcore>, window_params = [{transform_indices = #map}, {transform_indices = #map1}, {transform_indices = #map1}]} {
    %mul3A = arith.constant 2 : i32
    %mul3A_0 = arith.muli %arg1, %mul3A : i32
    %add3A = arith.addi %mul3A_0, %arg0 : i32
    %mul3A_1 = arith.constant 512 : i32
    %mul3A_2 = arith.muli %add3A, %mul3A_1 : i32
    %add3A_3 = arith.constant 0 : i32
    %add3A_4 = arith.addi %mul3A_2, %add3A_3 : i32
    %dma_start3A = arith.constant 0 : i32
    %dma_start3A_5 = arith.constant 0 : i32
    %dma_start3A_6 = tpu.memref_slice %arg5[%dma_start3A, %dma_start3A_5] : memref<4x128xi32, #tpu.memory_space<vmem>> -> memref<1x128xi32, #tpu.memory_space<vmem>>
    %dma_start3A_7 = tpu.memref_squeeze %dma_start3A_6 : memref<1x128xi32, #tpu.memory_space<vmem>> -> memref<128xi32, #tpu.memory_space<vmem>>
    %dma_start3A_8 = tpu.memref_slice %arg2[%add3A_4] : memref<16384xi32, #tpu.memory_space<hbm>> -> memref<128xi32, #tpu.memory_space<hbm>>
    %dma_start3A_9 = arith.constant 0 : i32
    %dma_start3A_10 = tpu.memref_slice %arg5[%dma_start3A, %dma_start3A_9] : memref<4x128xi32, #tpu.memory_space<vmem>> -> memref<1x128xi32, #tpu.memory_space<vmem>>
    %dma_start3A_11 = tpu.memref_squeeze %dma_start3A_10 : memref<1x128xi32, #tpu.memory_space<vmem>> -> memref<128xi32, #tpu.memory_space<vmem>>
    %dma_start3A_12 = tpu.memref_slice %arg2[%add3A_4] : memref<16384xi32, #tpu.memory_space<hbm>> -> memref<128xi32, #tpu.memory_space<hbm>>
    tpu.enqueue_dma source(%dma_start3A_12 : memref<128xi32, #tpu.memory_space<hbm>>) target(%dma_start3A_11 : memref<128xi32, #tpu.memory_space<vmem>>) target_semaphore(%arg7 : memref<!tpu.dma_semaphore, #tpu.memory_space<semaphore_mem>>)
    %add3A_13 = arith.constant 128 : i32
    %add3A_14 = arith.addi %mul3A_2, %add3A_13 : i32
    %dma_start3A_15 = arith.constant 1 : i32
    %dma_start3A_16 = arith.constant 0 : i32
    %dma_start3A_17 = tpu.memref_slice %arg5[%dma_start3A_15, %dma_start3A_16] : memref<4x128xi32, #tpu.memory_space<vmem>> -> memref<1x128xi32, #tpu.memory_space<vmem>>
    %dma_start3A_18 = tpu.memref_squeeze %dma_start3A_17 : memref<1x128xi32, #tpu.memory_space<vmem>> -> memref<128xi32, #tpu.memory_space<vmem>>
    %dma_start3A_19 = tpu.memref_slice %arg2[%add3A_14] : memref<16384xi32, #tpu.memory_space<hbm>> -> memref<128xi32, #tpu.memory_space<hbm>>
    %dma_start3A_20 = arith.constant 0 : i32
    %dma_start3A_21 = tpu.memref_slice %arg5[%dma_start3A_15, %dma_start3A_20] : memref<4x128xi32, #tpu.memory_space<vmem>> -> memref<1x128xi32, #tpu.memory_space<vmem>>
    %dma_start3A_22 = tpu.memref_squeeze %dma_start3A_21 : memref<1x128xi32, #tpu.memory_space<vmem>> -> memref<128xi32, #tpu.memory_space<vmem>>
    %dma_start3A_23 = tpu.memref_slice %arg2[%add3A_14] : memref<16384xi32, #tpu.memory_space<hbm>> -> memref<128xi32, #tpu.memory_space<hbm>>
    tpu.enqueue_dma source(%dma_start3A_23 : memref<128xi32, #tpu.memory_space<hbm>>) target(%dma_start3A_22 : memref<128xi32, #tpu.memory_space<vmem>>) target_semaphore(%arg7 : memref<!tpu.dma_semaphore, #tpu.memory_space<semaphore_mem>>)
    %add3A_24 = arith.constant 256 : i32
    %add3A_25 = arith.addi %mul3A_2, %add3A_24 : i32
    %dma_start3A_26 = arith.constant 2 : i32
    %dma_start3A_27 = arith.constant 0 : i32
    %dma_start3A_28 = tpu.memref_slice %arg5[%dma_start3A_26, %dma_start3A_27] : memref<4x128xi32, #tpu.memory_space<vmem>> -> memref<1x128xi32, #tpu.memory_space<vmem>>
    %dma_start3A_29 = tpu.memref_squeeze %dma_start3A_28 : memref<1x128xi32, #tpu.memory_space<vmem>> -> memref<128xi32, #tpu.memory_space<vmem>>
    %dma_start3A_30 = tpu.memref_slice %arg2[%add3A_25] : memref<16384xi32, #tpu.memory_space<hbm>> -> memref<128xi32, #tpu.memory_space<hbm>>
    %dma_start3A_31 = arith.constant 0 : i32
    %dma_start3A_32 = tpu.memref_slice %arg5[%dma_start3A_26, %dma_start3A_31] : memref<4x128xi32, #tpu.memory_space<vmem>> -> memref<1x128xi32, #tpu.memory_space<vmem>>
    %dma_start3A_33 = tpu.memref_squeeze %dma_start3A_32 : memref<1x128xi32, #tpu.memory_space<vmem>> -> memref<128xi32, #tpu.memory_space<vmem>>
    %dma_start3A_34 = tpu.memref_slice %arg2[%add3A_25] : memref<16384xi32, #tpu.memory_space<hbm>> -> memref<128xi32, #tpu.memory_space<hbm>>
    tpu.enqueue_dma source(%dma_start3A_34 : memref<128xi32, #tpu.memory_space<hbm>>) target(%dma_start3A_33 : memref<128xi32, #tpu.memory_space<vmem>>) target_semaphore(%arg7 : memref<!tpu.dma_semaphore, #tpu.memory_space<semaphore_mem>>)
    %add3A_35 = arith.constant 384 : i32
    %add3A_36 = arith.addi %mul3A_2, %add3A_35 : i32
    %dma_start3A_37 = arith.constant 3 : i32
    %dma_start3A_38 = arith.constant 0 : i32
    %dma_start3A_39 = tpu.memref_slice %arg5[%dma_start3A_37, %dma_start3A_38] : memref<4x128xi32, #tpu.memory_space<vmem>> -> memref<1x128xi32, #tpu.memory_space<vmem>>
    %dma_start3A_40 = tpu.memref_squeeze %dma_start3A_39 : memref<1x128xi32, #tpu.memory_space<vmem>> -> memref<128xi32, #tpu.memory_space<vmem>>
    %dma_start3A_41 = tpu.memref_slice %arg2[%add3A_36] : memref<16384xi32, #tpu.memory_space<hbm>> -> memref<128xi32, #tpu.memory_space<hbm>>
    %dma_start3A_42 = arith.constant 0 : i32
    %dma_start3A_43 = tpu.memref_slice %arg5[%dma_start3A_37, %dma_start3A_42] : memref<4x128xi32, #tpu.memory_space<vmem>> -> memref<1x128xi32, #tpu.memory_space<vmem>>
    %dma_start3A_44 = tpu.memref_squeeze %dma_start3A_43 : memref<1x128xi32, #tpu.memory_space<vmem>> -> memref<128xi32, #tpu.memory_space<vmem>>
    %dma_start3A_45 = tpu.memref_slice %arg2[%add3A_36] : memref<16384xi32, #tpu.memory_space<hbm>> -> memref<128xi32, #tpu.memory_space<hbm>>
    tpu.enqueue_dma source(%dma_start3A_45 : memref<128xi32, #tpu.memory_space<hbm>>) target(%dma_start3A_44 : memref<128xi32, #tpu.memory_space<vmem>>) target_semaphore(%arg7 : memref<!tpu.dma_semaphore, #tpu.memory_space<semaphore_mem>>)
    %dma_wait3A = arith.constant 0 : i32
    %dma_wait3A_46 = arith.constant 0 : i32
    %dma_wait3A_47 = tpu.memref_slice %arg5[%dma_wait3A, %dma_wait3A_46] : memref<4x128xi32, #tpu.memory_space<vmem>> -> memref<1x128xi32, #tpu.memory_space<vmem>>
    %dma_wait3A_48 = tpu.memref_squeeze %dma_wait3A_47 : memref<1x128xi32, #tpu.memory_space<vmem>> -> memref<128xi32, #tpu.memory_space<vmem>>
    %dma_wait3A_49 = tpu.memref_slice %arg2[%add3A_4] : memref<16384xi32, #tpu.memory_space<hbm>> -> memref<128xi32, #tpu.memory_space<hbm>>
    %dma_wait3A_50 = arith.constant 0 : i32
    %dma_wait3A_51 = tpu.memref_slice %arg5[%dma_wait3A, %dma_wait3A_50] : memref<4x128xi32, #tpu.memory_space<vmem>> -> memref<1x128xi32, #tpu.memory_space<vmem>>
    %dma_wait3A_52 = tpu.memref_squeeze %dma_wait3A_51 : memref<1x128xi32, #tpu.memory_space<vmem>> -> memref<128xi32, #tpu.memory_space<vmem>>
    %dma_wait3A_53 = tpu.memref_slice %arg2[%add3A_4] : memref<16384xi32, #tpu.memory_space<hbm>> -> memref<128xi32, #tpu.memory_space<hbm>>
    tpu.wait_dma2 semaphore(%arg7 : memref<!tpu.dma_semaphore, #tpu.memory_space<semaphore_mem>>) src(%dma_wait3A_53 : memref<128xi32, #tpu.memory_space<hbm>>) dst(%dma_wait3A_52 : memref<128xi32, #tpu.memory_space<vmem>>)
    %dma_start3A_54 = arith.constant 0 : i32
    %dma_start3A_55 = arith.constant 0 : i32
    %dma_start3A_56 = arith.constant 0 : i32
    %dma_start3A_57 = arith.constant 0 : i32
    %dma_start3A_58 = tpu.memref_slice %arg6[%dma_start3A_55, %dma_start3A_56, %dma_start3A_57] : memref<2x128x128xf32, #tpu.memory_space<vmem>> -> memref<1x128x128xf32, #tpu.memory_space<vmem>>
    %dma_start3A_59 = tpu.memref_squeeze %dma_start3A_58 : memref<1x128x128xf32, #tpu.memory_space<vmem>> -> memref<128x128xf32, #tpu.memory_space<vmem>>
    %dma_start3A_60 = arith.constant 0 : i32
    %dma_start3A_61 = tpu.memref_slice %arg5[%dma_start3A_54, %dma_start3A_60] : memref<4x128xi32, #tpu.memory_space<vmem>> -> memref<1x128xi32, #tpu.memory_space<vmem>>
    %dma_start3A_62 = tpu.memref_squeeze %dma_start3A_61 : memref<1x128xi32, #tpu.memory_space<vmem>> -> memref<128xi32, #tpu.memory_space<vmem>>
    %dma_start3A_63 = arith.constant 0 : i32
    %dma_start3A_64 = arith.constant 0 : i32
    %dma_start3A_65 = tpu.memref_slice %arg3[%dma_start3A_63, %dma_start3A_64] : memref<1000x128xf32, #tpu.memory_space<hbm>> -> memref<1000x128xf32, #tpu.memory_space<hbm>>
    tpu.enqueue_indirect_dma source(%dma_start3A_65 : memref<1000x128xf32, #tpu.memory_space<hbm>>) target(%dma_start3A_59 : memref<128x128xf32, #tpu.memory_space<vmem>>) offsets(%dma_start3A_62 : memref<128xi32, #tpu.memory_space<vmem>>) semaphore(%arg8 : memref<!tpu.dma_semaphore, #tpu.memory_space<semaphore_mem>>)
    %scan3A = arith.constant 0 : i32
    %scan3A_66 = arith.constant 0 : i32
    %scan3A_67 = arith.constant 4 : i32
    %scan3A_68 = arith.addi %scan3A_66, %scan3A_67 : i32
    %scan3A_69 = arith.constant 1 : i32
    scf.for %scan3A_84 = %scan3A_66 to %scan3A_68 step %scan3A_69  : i32 {
      %rem3A = arith.constant 2 : i32
      %rem3A_85 = arith.remsi %scan3A_84, %rem3A : i32
      %add3A_86 = arith.constant 1 : i32
      %add3A_87 = arith.addi %scan3A_84, %add3A_86 : i32
      %rem3A_88 = arith.constant 2 : i32
      %rem3A_89 = arith.remsi %add3A_87, %rem3A_88 : i32
      %ge3A = arith.constant 1 : i32
      %ge3A_90 = arith.cmpi sge, %scan3A_84, %ge3A : i32
      %convert_element_type3A = arith.extui %ge3A_90 : i1 to i32
      %cond3A = arith.constant 0 : i32
      %cond3A_91 = arith.cmpi ne, %convert_element_type3A, %cond3A : i32
      scf.if %cond3A_91 {
        %dma_wait3A_123 = arith.constant 0 : i32
        %dma_wait3A_124 = arith.constant 0 : i32
        %dma_wait3A_125 = tpu.memref_slice %arg6[%rem3A_89, %dma_wait3A_123, %dma_wait3A_124] : memref<2x128x128xf32, #tpu.memory_space<vmem>> -> memref<1x128x128xf32, #tpu.memory_space<vmem>>
        %dma_wait3A_126 = tpu.memref_squeeze %dma_wait3A_125 : memref<1x128x128xf32, #tpu.memory_space<vmem>> -> memref<128x128xf32, #tpu.memory_space<vmem>>
        %dma_wait3A_127 = arith.constant 0 : i32
        %dma_wait3A_128 = tpu.memref_slice %arg4[%mul3A_2, %dma_wait3A_127] : memref<16384x128xf32, #tpu.memory_space<hbm>> -> memref<128x128xf32, #tpu.memory_space<hbm>>
        %dma_wait3A_129 = arith.constant 0 : i32
        %dma_wait3A_130 = tpu.memref_slice %arg4[%mul3A_2, %dma_wait3A_129] : memref<16384x128xf32, #tpu.memory_space<hbm>> -> memref<128x128xf32, #tpu.memory_space<hbm>>
        %dma_wait3A_131 = arith.constant 0 : i32
        %dma_wait3A_132 = arith.constant 0 : i32
        %dma_wait3A_133 = tpu.memref_slice %arg6[%rem3A_89, %dma_wait3A_131, %dma_wait3A_132] : memref<2x128x128xf32, #tpu.memory_space<vmem>> -> memref<1x128x128xf32, #tpu.memory_space<vmem>>
        %dma_wait3A_134 = tpu.memref_squeeze %dma_wait3A_133 : memref<1x128x128xf32, #tpu.memory_space<vmem>> -> memref<128x128xf32, #tpu.memory_space<vmem>>
        tpu.wait_dma2 semaphore(%arg9 : memref<!tpu.dma_semaphore, #tpu.memory_space<semaphore_mem>>) src(%dma_wait3A_134 : memref<128x128xf32, #tpu.memory_space<vmem>>) dst(%dma_wait3A_130 : memref<128x128xf32, #tpu.memory_space<hbm>>)
      } else {
      }
      %add3A_92 = arith.constant 1 : i32
      %add3A_93 = arith.addi %scan3A_84, %add3A_92 : i32
      %lt3A = arith.constant 4 : i32
      %lt3A_94 = arith.cmpi slt, %add3A_93, %lt3A : i32
      %convert_element_type3A_95 = arith.extui %lt3A_94 : i1 to i32
      %cond3A_96 = arith.constant 0 : i32
      %cond3A_97 = arith.cmpi ne, %convert_element_type3A_95, %cond3A_96 : i32
      scf.if %cond3A_97 {
        %dma_wait3A_123 = arith.constant 0 : i32
        %dma_wait3A_124 = arith.constant 0 : i32
        %dma_wait3A_125 = tpu.memref_slice %arg5[%dma_wait3A_123, %dma_wait3A_124] : memref<4x128xi32, #tpu.memory_space<vmem>> -> memref<1x128xi32, #tpu.memory_space<vmem>>
        %dma_wait3A_126 = tpu.memref_squeeze %dma_wait3A_125 : memref<1x128xi32, #tpu.memory_space<vmem>> -> memref<128xi32, #tpu.memory_space<vmem>>
        %dma_wait3A_127 = tpu.memref_slice %arg2[%mul3A_2] : memref<16384xi32, #tpu.memory_space<hbm>> -> memref<128xi32, #tpu.memory_space<hbm>>
        %dma_wait3A_128 = arith.constant 0 : i32
        %dma_wait3A_129 = tpu.memref_slice %arg5[%dma_wait3A_123, %dma_wait3A_128] : memref<4x128xi32, #tpu.memory_space<vmem>> -> memref<1x128xi32, #tpu.memory_space<vmem>>
        %dma_wait3A_130 = tpu.memref_squeeze %dma_wait3A_129 : memref<1x128xi32, #tpu.memory_space<vmem>> -> memref<128xi32, #tpu.memory_space<vmem>>
        %dma_wait3A_131 = tpu.memref_slice %arg2[%mul3A_2] : memref<16384xi32, #tpu.memory_space<hbm>> -> memref<128xi32, #tpu.memory_space<hbm>>
        tpu.wait_dma2 semaphore(%arg7 : memref<!tpu.dma_semaphore, #tpu.memory_space<semaphore_mem>>) src(%dma_wait3A_131 : memref<128xi32, #tpu.memory_space<hbm>>) dst(%dma_wait3A_130 : memref<128xi32, #tpu.memory_space<vmem>>)
        %add3A_132 = arith.constant 1 : i32
        %add3A_133 = arith.addi %scan3A_84, %add3A_132 : i32
        %dma_start3A_134 = arith.constant 0 : i32
        %dma_start3A_135 = arith.constant 0 : i32
        %dma_start3A_136 = tpu.memref_slice %arg6[%rem3A_89, %dma_start3A_134, %dma_start3A_135] : memref<2x128x128xf32, #tpu.memory_space<vmem>> -> memref<1x128x128xf32, #tpu.memory_space<vmem>>
        %dma_start3A_137 = tpu.memref_squeeze %dma_start3A_136 : memref<1x128x128xf32, #tpu.memory_space<vmem>> -> memref<128x128xf32, #tpu.memory_space<vmem>>
        %dma_start3A_138 = arith.constant 0 : i32
        %dma_start3A_139 = tpu.memref_slice %arg5[%add3A_133, %dma_start3A_138] : memref<4x128xi32, #tpu.memory_space<vmem>> -> memref<1x128xi32, #tpu.memory_space<vmem>>
        %dma_start3A_140 = tpu.memref_squeeze %dma_start3A_139 : memref<1x128xi32, #tpu.memory_space<vmem>> -> memref<128xi32, #tpu.memory_space<vmem>>
        %dma_start3A_141 = arith.constant 0 : i32
        %dma_start3A_142 = arith.constant 0 : i32
        %dma_start3A_143 = tpu.memref_slice %arg3[%dma_start3A_141, %dma_start3A_142] : memref<1000x128xf32, #tpu.memory_space<hbm>> -> memref<1000x128xf32, #tpu.memory_space<hbm>>
        tpu.enqueue_indirect_dma source(%dma_start3A_143 : memref<1000x128xf32, #tpu.memory_space<hbm>>) target(%dma_start3A_137 : memref<128x128xf32, #tpu.memory_space<vmem>>) offsets(%dma_start3A_140 : memref<128xi32, #tpu.memory_space<vmem>>) semaphore(%arg8 : memref<!tpu.dma_semaphore, #tpu.memory_space<semaphore_mem>>)
      } else {
      }
      %dma_wait3A_98 = arith.constant 0 : i32
      %dma_wait3A_99 = arith.constant 0 : i32
      %dma_wait3A_100 = tpu.memref_slice %arg6[%rem3A_85, %dma_wait3A_98, %dma_wait3A_99] : memref<2x128x128xf32, #tpu.memory_space<vmem>> -> memref<1x128x128xf32, #tpu.memory_space<vmem>>
      %dma_wait3A_101 = tpu.memref_squeeze %dma_wait3A_100 : memref<1x128x128xf32, #tpu.memory_space<vmem>> -> memref<128x128xf32, #tpu.memory_space<vmem>>
      %dma_wait3A_102 = arith.constant 0 : i32
      %dma_wait3A_103 = tpu.memref_slice %arg5[%scan3A_84, %dma_wait3A_102] : memref<4x128xi32, #tpu.memory_space<vmem>> -> memref<1x128xi32, #tpu.memory_space<vmem>>
      %dma_wait3A_104 = tpu.memref_squeeze %dma_wait3A_103 : memref<1x128xi32, #tpu.memory_space<vmem>> -> memref<128xi32, #tpu.memory_space<vmem>>
      %dma_wait3A_105 = arith.constant 0 : i32
      %dma_wait3A_106 = arith.constant 0 : i32
      %dma_wait3A_107 = tpu.memref_slice %arg3[%dma_wait3A_105, %dma_wait3A_106] : memref<1000x128xf32, #tpu.memory_space<hbm>> -> memref<1000x128xf32, #tpu.memory_space<hbm>>
      tpu.wait_indirect_dma semaphore(%arg8 : memref<!tpu.dma_semaphore, #tpu.memory_space<semaphore_mem>>) src(%dma_wait3A_107 : memref<1000x128xf32, #tpu.memory_space<hbm>>) dst(%dma_wait3A_101 : memref<128x128xf32, #tpu.memory_space<vmem>>)
      %mul3A_108 = arith.constant 128 : i32
      %mul3A_109 = arith.muli %scan3A_84, %mul3A_108 : i32
      %add3A_110 = arith.addi %mul3A_2, %mul3A_109 : i32
      %dma_start3A_111 = arith.constant 0 : i32
      %dma_start3A_112 = arith.constant 0 : i32
      %dma_start3A_113 = tpu.memref_slice %arg6[%rem3A_85, %dma_start3A_111, %dma_start3A_112] : memref<2x128x128xf32, #tpu.memory_space<vmem>> -> memref<1x128x128xf32, #tpu.memory_space<vmem>>
      %dma_start3A_114 = tpu.memref_squeeze %dma_start3A_113 : memref<1x128x128xf32, #tpu.memory_space<vmem>> -> memref<128x128xf32, #tpu.memory_space<vmem>>
      %dma_start3A_115 = arith.constant 0 : i32
      %dma_start3A_116 = tpu.memref_slice %arg4[%add3A_110, %dma_start3A_115] : memref<16384x128xf32, #tpu.memory_space<hbm>> -> memref<128x128xf32, #tpu.memory_space<hbm>>
      %dma_start3A_117 = arith.constant 0 : i32
      %dma_start3A_118 = tpu.memref_slice %arg4[%add3A_110, %dma_start3A_117] : memref<16384x128xf32, #tpu.memory_space<hbm>> -> memref<128x128xf32, #tpu.memory_space<hbm>>
      %dma_start3A_119 = arith.constant 0 : i32
      %dma_start3A_120 = arith.constant 0 : i32
      %dma_start3A_121 = tpu.memref_slice %arg6[%rem3A_85, %dma_start3A_119, %dma_start3A_120] : memref<2x128x128xf32, #tpu.memory_space<vmem>> -> memref<1x128x128xf32, #tpu.memory_space<vmem>>
      %dma_start3A_122 = tpu.memref_squeeze %dma_start3A_121 : memref<1x128x128xf32, #tpu.memory_space<vmem>> -> memref<128x128xf32, #tpu.memory_space<vmem>>
      tpu.enqueue_dma source(%dma_start3A_122 : memref<128x128xf32, #tpu.memory_space<vmem>>) target(%dma_start3A_118 : memref<128x128xf32, #tpu.memory_space<hbm>>) target_semaphore(%arg9 : memref<!tpu.dma_semaphore, #tpu.memory_space<semaphore_mem>>)
    }
    %scan3A_70 = arith.constant 4 : i32
    %dma_wait3A_71 = arith.constant 0 : i32
    %dma_wait3A_72 = arith.constant 0 : i32
    %dma_wait3A_73 = arith.constant 0 : i32
    %dma_wait3A_74 = tpu.memref_slice %arg6[%dma_wait3A_71, %dma_wait3A_72, %dma_wait3A_73] : memref<2x128x128xf32, #tpu.memory_space<vmem>> -> memref<1x128x128xf32, #tpu.memory_space<vmem>>
    %dma_wait3A_75 = tpu.memref_squeeze %dma_wait3A_74 : memref<1x128x128xf32, #tpu.memory_space<vmem>> -> memref<128x128xf32, #tpu.memory_space<vmem>>
    %dma_wait3A_76 = arith.constant 0 : i32
    %dma_wait3A_77 = tpu.memref_slice %arg4[%mul3A_2, %dma_wait3A_76] : memref<16384x128xf32, #tpu.memory_space<hbm>> -> memref<128x128xf32, #tpu.memory_space<hbm>>
    %dma_wait3A_78 = arith.constant 0 : i32
    %dma_wait3A_79 = tpu.memref_slice %arg4[%mul3A_2, %dma_wait3A_78] : memref<16384x128xf32, #tpu.memory_space<hbm>> -> memref<128x128xf32, #tpu.memory_space<hbm>>
    %dma_wait3A_80 = arith.constant 0 : i32
    %dma_wait3A_81 = arith.constant 0 : i32
    %dma_wait3A_82 = tpu.memref_slice %arg6[%dma_wait3A_71, %dma_wait3A_80, %dma_wait3A_81] : memref<2x128x128xf32, #tpu.memory_space<vmem>> -> memref<1x128x128xf32, #tpu.memory_space<vmem>>
    %dma_wait3A_83 = tpu.memref_squeeze %dma_wait3A_82 : memref<1x128x128xf32, #tpu.memory_space<vmem>> -> memref<128x128xf32, #tpu.memory_space<vmem>>
    tpu.wait_dma2 semaphore(%arg9 : memref<!tpu.dma_semaphore, #tpu.memory_space<semaphore_mem>>) src(%dma_wait3A_83 : memref<128x128xf32, #tpu.memory_space<vmem>>) dst(%dma_wait3A_79 : memref<128x128xf32, #tpu.memory_space<hbm>>)
    return
  }
}

</mosaic_0001>

<sc_bundles>
// kernel: kernel.3.cloned.1.call-start
scs
__scs_entry_jumppad:
0x0: {  	(pc) =	sbr.rel $0x88, $3  }
0x1: {  	(tag) =	ssettag $0x0;
	lr =	simm.s32 $0x1  }
0x2: {  	[smem:$0x3F9F] =	sst lr;
	_ =	strace $0xD0000000  }
0x3: {  	_ = 	snop  }
0x4: {  	_ = 	snop  }
0x5: {  	_ = 	snop  }
0x6: {  	_ = 	snop  }
0x7: {  	_ = 	snop  }
__scs_overlays_trampoline_lowered:
0x8: {  	[smem:$0x3FAE] =	sst s0  }
0x9: {  	[smem:$0x3FAF] =	sst s1  }
0xa: {  	[smem:$0x3FB0] =	sst s2  }
0xb: {  	[smem:$0x3FB1] =	sst s3  }
0xc: {  	[smem:$0x3FB2] =	sst s4  }
0xd: {  	[smem:$0x3FB3] =	sst s5  }
0xe: {  	[smem:$0x3FB4] =	sst s6  }
0xf: {  	[smem:$0x3FB5] =	sst s7  }
0x10: {  	[smem:$0x3FB6] =	sst s8  }
0x11: {  	[smem:$0x3FB7] =	sst s9;
	s0 =	simm.s32 @!p0 $0x0  }
0x12: {  	s1 =	sld [smem:$0x3F9D];
	s0 =	simm.s32 @p0 $0x1  }
0x13: {  	[smem:$0x3FB8] =	sst s0;
	s0 =	simm.s32 @!p1 $0x0  }
0x14: {  	s2 =	sld [smem:$0x3F9C];
	s0 =	simm.s32 @p1 $0x1  }
0x15: {  	[smem:$0x3FB9] =	sst s0;
	s0 =	simm.s32 @!p2 $0x0  }
0x16: {  	s3 =	sld [smem:$0x3FDB];
	s0 =	simm.s32 @p2 $0x1  }
0x17: {  	s4 =	simm.s32 $0x1BF5;
	[smem:$0x3FBB] =	sst s0  }
0x18: {  	s0 =	sld [smem:$0x3F9E];
	_ =	swait.ge [sflag:s4], $0x0  }
0x19: {  	s7 =	sld [smem:$0x3F9F]  }
0x1a: {  	s8 =	sadd.s32 $0xFFFFE003, lr  }
0x1b: {  	s9 =	sadd.s32 $0xFFFFFEF7, lr;
	s5 =	simm.s32 $0xFFFFFFFF;
	p2 =	slt.u32 s8, $0xFFFFF086  }
0x1c: {  	p1 =	slt.u32 s9, $0xF7A;
	s5 =	simm.s32 @!p2 $0x0  }
0x1d: {  	s5 =	simm.s32 @p1 $0x1;
	p0 =	seq.s32 s7, s2  }
0x1e: {  	s7 =	smul.u32 @!p0 $0xF7A, s2;
	p2 =	seq.s32 @!p0 s5, $0x0  }
0x1f: {  	s9 =	smul.u32 $0xF7A, s1;
	s8 =	simm.s32 @!p0 $0x1BF5;
	p2 =	por !p2, p0  }
0x20: {  	[sflag:s8] =	ssyncset.s32 @!p0 $0xFFFFF086;
	s6 =	sadd.s32 @!p0 s3, s7;
	s7 =	simm.s32 @!p0 $0x108  }
0x21: {  	s3 =	sadd.s32 s3, s9;
	s6 =	sadd.s32 @!p0 $0x88, s6;
	s7 =	simm.s32 @p2 $0x1082  }
0x22: {  	[simem:s7], [sflag:s8] =	dma.local @!p0 [hbm:s6], $0xF7A  }
0x23: {  	s9 =	sor.u32 $0xD0000000, s2;
	s6 =	simm.s32 $0x108;
	_ =	swait.ge @!p0 [sflag:s8], $0x0  }
0x24: {  	s3 =	sadd.s32 $0x88, s3;
	s6 =	simm.s32 @!p1 $0x1082;
	[sflag:s4] =	ssyncset.s32 $0xFFFFF086  }
0x25: {  	[simem:s6], [sflag:s4] =	dma.local [hbm:s3], $0xF7A  }
0x26: {  	[smem:$0x3F9F] =	sst s1;
	(tag) =	ssettag s2;
	_ =	strace s9  }
0x27: {  	s1 =	sld [smem:$0x3FAF]  }
0x28: {  	s2 =	sld [smem:$0x3FB0]  }
0x29: {  	s4 =	sld [smem:$0x3FB2]  }
0x2a: {  	p0 =	seq.s32 s5, $0x0;
	s5 =	sld [smem:$0x3FB3]  }
0x2b: {  	s6 =	sld [smem:$0x3FB4]  }
0x2c: {  	s7 =	sld [smem:$0x3FB5]  }
0x2d: {  	s3 =	simm.s32 $0x108;
	s8 =	sld [smem:$0x3FB6]  }
0x2e: {  	s3 =	simm.s32 @!p0 $0x1082;
	s9 =	sld [smem:$0x3FB7]  }
0x2f: {  	lr =	sadd.s32 s0, s3;
	s0 =	sld [smem:$0x3FAE]  }
0x30: {  	s3 =	sld [smem:$0x3FB1]  }
0x31: {  	[smem:$0x3FBA] =	sst s10  }
0x32: {  	s10 =	sld [smem:$0x3FB8];
	_ =	sdelay $0x3  }
0x33: {  	p0 =	seq.s32 s10, $0x1;
	s10 =	sld [smem:$0x3FBA];
	_ =	sdelay $0x3  }
0x34: {  	[smem:$0x3FBA] =	sst s10  }
0x35: {  	s10 =	sld [smem:$0x3FB9];
	_ =	sdelay $0x3  }
0x36: {  	p1 =	seq.s32 s10, $0x1;
	s10 =	sld [smem:$0x3FBA];
	_ =	sdelay $0x3  }
0x37: {  	[smem:$0x3FBA] =	sst s10  }
0x38: {  	s10 =	sld [smem:$0x3FBB]  }
0x39: {  	_ = 	snop;
	(pc) =	sbr.ind lr, $3  }
0x3a: {  	_ = 	snop  }
0x3b: {  	_ = 	snop  }
0x3c: {  	p2 =	seq.s32 s10, $0x1;
	s10 =	sld [smem:$0x3FBA]  }
0x3d: {  	_ =	shalt  }
0x3e: {  	_ =	shalt  }
0x3f: {  	_ =	shalt  }
0x40: {  	_ =	shalt  }
0x41: {  	_ =	shalt  }
0x42: {  	_ =	shalt  }
0x43: {  	_ =	shalt  }
0x44: {  	_ =	shalt  }
0x45: {  	_ =	shalt  }
0x46: {  	_ =	shalt  }
0x47: {  	_ =	shalt  }
0x48: {  	_ =	shalt  }
0x49: {  	_ =	shalt  }
0x4a: {  	_ =	shalt  }
0x4b: {  	_ =	shalt  }
0x4c: {  	_ =	shalt  }
0x4d: {  	_ =	shalt  }
0x4e: {  	_ =	shalt  }
0x4f: {  	_ =	shalt  }
0x50: {  	_ =	shalt  }
0x51: {  	_ =	shalt  }
0x52: {  	_ =	shalt  }
0x53: {  	_ =	shalt  }
0x54: {  	_ =	shalt  }
0x55: {  	_ =	shalt  }
0x56: {  	_ =	shalt  }
0x57: {  	_ =	shalt  }
0x58: {  	_ =	shalt  }
0x59: {  	_ =	shalt  }
0x5a: {  	_ =	shalt  }
0x5b: {  	_ =	shalt  }
0x5c: {  	_ =	shalt  }
0x5d: {  	_ =	shalt  }
0x5e: {  	_ =	shalt  }
0x5f: {  	_ =	shalt  }
0x60: {  	_ =	shalt  }
0x61: {  	_ =	shalt  }
0x62: {  	_ =	shalt  }
0x63: {  	_ =	shalt  }
0x64: {  	_ =	shalt  }
0x65: {  	_ =	shalt  }
0x66: {  	_ =	shalt  }
0x67: {  	_ =	shalt  }
0x68: {  	_ =	shalt  }
0x69: {  	_ =	shalt  }
0x6a: {  	_ =	shalt  }
0x6b: {  	_ =	shalt  }
0x6c: {  	_ =	shalt  }
0x6d: {  	_ =	shalt  }
0x6e: {  	_ =	shalt  }
0x6f: {  	_ =	shalt  }
0x70: {  	_ =	shalt  }
0x71: {  	_ =	shalt  }
0x72: {  	_ =	shalt  }
0x73: {  	_ =	shalt  }
0x74: {  	_ =	shalt  }
0x75: {  	_ =	shalt  }
0x76: {  	_ =	shalt  }
0x77: {  	_ =	shalt  }
0x78: {  	_ =	shalt  }
0x79: {  	_ =	shalt  }
0x7a: {  	_ =	shalt  }
0x7b: {  	_ =	shalt  }
0x7c: {  	_ =	shalt  }
0x7d: {  	_ =	shalt  }
0x7e: {  	_ =	shalt  }
0x7f: {  	_ =	shalt  }
0x80: {  	_ =	shalt  }
0x81: {  	_ =	shalt  }
0x82: {  	_ =	shalt  }
0x83: {  	_ =	shalt  }
0x84: {  	_ =	shalt  }
0x85: {  	_ =	shalt  }
0x86: {  	_ =	shalt  }
0x87: {  	_ =	shalt  }
.Lfunc_end0:
.L_simem_size_0:
called_computation_lowered:
.L_overlay_start_0:
0x88: {  	s2 =	sld [smem:$0x3FD9]  }
0x89: {  	s3 =	sld [smem:$0x3FFE];
	_ =	sdelay $0x1  }
0x8a: {  	s1 =	srdreg.scid  }
0x8b: {  	s0 =	sand.u32 $0x1, s1  }
0x8c: {  	s18 =	sshll.u32 s0, $0xA;
	s2 =	sadd.s32 s3, s2  }
0x8d: {  	s2 =	sadd.s32 s2, s18  }
0x8e: {  	[smem:$0x3FC6] =	sst s2  }
0x8f: {  	_ = 	snop  }
0x90: {  	s2 =	sld [smem:$0x3FC9]  }
0x91: {  	s19 =	sld [smem:$0x3FC8]  }
0x92: {  	s4 =	sld [smem:$0x3FD0];
	(tm) =	ssettm $0x1  }
0x93: {  	s5 =	sld [smem:$0x3FFB];
	_ =	sdelay $0x3  }
0x94: {  	_ =	strace s5  }
0x95: {  	s5 =	sld [smem:$0x3FFC];
	_ =	sdelay $0x3  }
0x96: {  	_ =	strace s5  }
0x97: {  	s5 =	sld [smem:$0x3FFD];
	_ =	sdelay $0x3  }
0x98: {  	_ =	strace s5  }
0x99: {  	_ =	strace $0x8FFFFFFF  }
0x9a: {  	s20 =	sld [smem:$0x3FDB];
	_ =	sdelay $0x1  }
0x9b: {  	s6 =	simm.s32 $_scs_section_size  }
0x9c: {  	s7 =	simm.s32 $_size__tile_overlayer_lowered;
	s8 =	simm.s32 $_tile_overlayer_lowered  }
0x9d: {  	s23 =	simm.s32 $0x1BFF;
	s22 =	sshll.u32 s8, $0x1;
	s5 =	sadd.s32 s6, s20  }
0x9e: {  	s9 =	simm.s32 $0x0;
	s21 =	sshll.u32 s7, $0x1;
	s7 =	sadd.s32 s22, s5  }
0x9f: {  	[timem:s9], [sflag:s23] =	dma.local [hbm:s7], s21  }
0xa0: {  	_ =	swait.ge [sflag:s23], s21  }
0xa1: {  	s6 =	ssub.s32 $0x0, s21;
	[sflag:s23] =	ssyncset.done $0x0  }
0xa2: {  	[sflag:s23] =	ssyncadd.s32 s6;
	_ =	sdelay $0x1  }
0xa3: {  	s24 =	simm.s32 $0x1B8B  }
0xa4: {  	_ =	swait.ge [sflag:s24], $0x1  }
0xa5: {  	[sflag:s24] =	ssyncset.done $0x0  }
0xa6: {  	s25 =	simm.s32 $0x1B8E;
	[sflag:s24] =	ssyncadd.s32 $0xFFFFFFFF  }
0xa7: {  	s26 =	simm.s32 $execute0_lowered;
	[smem:$0x3FD2] =	sst s25  }
0xa8: {  	s6 =	sshll.u32 s26, $0x1;
	_ =	strace $0x80000046;
	[dreg:$0x1] =	wrdreg $0xFFFFFFFF  }
0xa9: {  	s28 =	simm.s32 $_size_execute0_lowered;
	s5 =	sadd.s32 s5, s6;
	[dreg:$0x0] =	wrdreg $0x0  }
0xaa: {  	s6 =	sshll.u32 s28, $0x1;
	[dreg:$0x2] =	wrdreg s5  }
0xab: {  	[dreg:$0x3] =	wrdreg s6  }
0xac: {  	[dreg:$0x4] =	wrdreg $0xC0  }
0xad: {  	_ =	task [dreg:s9], $0x5FFFF  }
0xae: {  	[dreg:$0x1] =	wrdreg $0xFFFFFFFF  }
0xaf: {  	[dreg:$0x0] =	wrdreg $0x60  }
0xb0: {  	[dreg:$0x2] =	wrdreg s2  }
0xb1: {  	[dreg:$0x3] =	wrdreg s19  }
0xb2: {  	[dreg:$0x4] =	wrdreg s4  }
0xb3: {  	[dreg:$0x5] =	wrdreg $0x9  }
0xb4: {  	_ =	task.clear_ibuf [dreg:s9], $0x6FFFF;
	_ =	strace $0x90000046  }
0xb5: {  	s29 =	simm.s32 $0x9;
	_ =	strace $0x80000048  }
0xb6: {  	_ =	swait.ge [sflag:s29], $0x1  }
0xb7: {  	[sflag:s29] =	ssyncadd.s32 $0xFFFFFFFF  }
0xb8: {  	_ =	strace $0x90000048  }
0xb9: {  	_ =	sfence  }
0xba: {  	s30 =	sld [smem:$0x0];
	_ =	sdelay $0x2  }
0xbb: {  	s31 =	sshll.u32 s1, $0xD;
	s1 =	sshrl.u32 s1, $0x2  }
0xbc: {  	s3 =	sand.u32 $0x4000, s31;
	s1 =	sadd.s32 s1, s30  }
0xbd: {  	s0 =	sor.u32 s3, s0;
	s1 =	sshll.u32 s1, $0x11  }
0xbe: {  	s0 =	sor.u32 s1, s0  }
0xbf: {  	s0 =	sadd.s32 $0x8F2B, s0  }
0xc0: {  	[sflag:s0] =	ssyncadd.remote.s32 $0x1  }
0xc1: {  	_ =	sfence.sel $0xFFFF  }
0xc2: {  	[dreg:$0x0] =	wrdreg $0xFFFFFFFF;
	(pc) =	sbr.abs _section_cstart, $3  }
0xc3: {  	[dreg:$0x1] =	wrdreg $0xFFFFFFFF  }
0xc4: {  	_ =	task.clear_ibuf [dreg:s9], $0x2FFFF;
	_ =	strace $0x9FFFFFFF  }
0xc5: {  	(tm) =	ssettm $0x7FFFFFFF  }
tec
execute0_lowered:
.L_overlay_start_1:
0x0: {  	(tag) =	ssettag $0x1  }
0x1: {  	s1 =	srdreg.scid  }
0x2: {  	s4 =	rddreg [dreg:$0x0];
	s0 =	stileid.u32;
	s19 =	sand.u32 $0x1, s1  }
0x3: {  	s2 =	rddreg [dreg:$0x1];
	s5 =	sshll.u32 s0, $0xA;
	s6 =	sshll.u32 s19, $0x9  }
0x4: {  	s15 =	rddreg [dreg:$0x2];
	s3 =	simm.s32 $0x0;
	s16 =	sor.u32 s6, s5  }
0x5: {  	[smem:$0x7FF] =	sst s3;
	s5 =	sshrl.u32 s16, $0x3  }
0x6: {  	s1 =	rddreg [dreg:$0x3];
	_ =	strace $0x80000047;
	s4 =	sadd.s32 s4, s5  }
0x7: {  	[tilespmem:s3], [sflag:$0x1] =	stream.linear.gather [hbm4b:s4+s3], $0x80, $0x38;
	[tilespmem:$0x8200] =	vst v63  }
0x8: {  	s6 =	simm.s32 $0x80;
	s5 =	sadd.s32 $0x10, s4  }
0x9: {  	[tilespmem:s6], [sflag:$0x1] =	stream.linear.gather [hbm4b:s5+s3], $0x80, $0x38;
	[tilespmem:$0x8200] =	vst v63  }
0xa: {  	s8 =	simm.s32 $0x100;
	s7 =	sadd.s32 $0x20, s4  }
0xb: {  	[tilespmem:s8], [sflag:$0x1] =	stream.linear.gather [hbm4b:s7+s3], $0x80, $0x38;
	[tilespmem:$0x8200] =	vst v63  }
0xc: {  	s10 =	simm.s32 $0x180;
	s11 =	simm.s32 $0x1;
	s9 =	sadd.s32 $0x30, s4  }
0xd: {  	[tilespmem:s10], [sflag:$0x1] =	stream.linear.gather [hbm4b:s9+s3], $0x80, $0x38;
	[tilespmem:$0x8200] =	vst v63  }
0xe: {  	_ =	swait.ge [sflag:s11], $0x80  }
0xf: {  	[sflag:s11] =	ssyncset.done $0x0  }
0x10: {  	s12 =	simm.s32 $0x200;
	[sflag:s11] =	ssyncadd.s32 $0xFFFFFF80  }
0x11: {  	[tilespmem:s12], [sflag:$0x2] =	stream.indirect.gather [hbm4b:s2+s6], $0x80, s3, s6, $0xb8;
	[tilespmem:$0x8200] =	vst v63  }
0x12: {  	_ =	swait.ge [sflag:s11], $0x80  }
0x13: {  	[sflag:s11] =	ssyncset.done $0x0  }
0x14: {  	s13 =	simm.s32 $0x4200;
	s14 =	simm.s32 $0x2;
	[sflag:s11] =	ssyncadd.s32 $0xFFFFFF80  }
0x15: {  	[tilespmem:s13], [sflag:$0x2] =	stream.indirect.gather [hbm4b:s2+s6], $0x80, s6, s6, $0xb8;
	[tilespmem:$0x8200] =	vst v63  }
0x16: {  	_ =	swait.ge [sflag:s14], $0x4000  }
0x17: {  	s16 =	sshll.u32 s16, $0x4;
	[sflag:s14] =	ssyncset.done $0x0  }
0x18: {  	s16 =	sadd.s32 s15, s16;
	s15 =	simm.s32 $0x3;
	[sflag:s14] =	ssyncadd.s32 $0xFFFFC000  }
0x19: {  	[hbm4b:s16+s3] =	stream.linear.scatter [tilespmem:s12], [sflag:$0x3], $0x4000, $0x38;
	[tilespmem:$0x8200] =	vst v63  }
0x1a: {  	_ =	swait.ge [sflag:s15], $0x4000  }
0x1b: {  	[sflag:s15] =	ssyncset.done $0x0  }
0x1c: {  	[sflag:s15] =	ssyncadd.s32 $0xFFFFC000  }
0x1d: {  	_ =	swait.ge [sflag:s11], $0x80  }
0x1e: {  	[sflag:s11] =	ssyncset.done $0x0  }
0x1f: {  	[sflag:s11] =	ssyncadd.s32 $0xFFFFFF80  }
0x20: {  	[tilespmem:s12], [sflag:$0x2] =	stream.indirect.gather [hbm4b:s2+s6], $0x80, s8, s6, $0xb8;
	[tilespmem:$0x8200] =	vst v63  }
0x21: {  	_ =	swait.ge [sflag:s14], $0x4000  }
0x22: {  	[sflag:s14] =	ssyncset.done $0x0  }
0x23: {  	s17 =	sadd.s32 $0x800, s16;
	[sflag:s14] =	ssyncadd.s32 $0xFFFFC000  }
0x24: {  	[hbm4b:s17+s3] =	stream.linear.scatter [tilespmem:s13], [sflag:$0x3], $0x4000, $0x38;
	[tilespmem:$0x8200] =	vst v63  }
0x25: {  	_ =	swait.ge [sflag:s15], $0x4000  }
0x26: {  	[sflag:s15] =	ssyncset.done $0x0  }
0x27: {  	[sflag:s15] =	ssyncadd.s32 $0xFFFFC000  }
0x28: {  	_ =	swait.ge [sflag:s11], $0x80  }
0x29: {  	[sflag:s11] =	ssyncset.done $0x0  }
0x2a: {  	[sflag:s11] =	ssyncadd.s32 $0xFFFFFF80  }
0x2b: {  	[tilespmem:s13], [sflag:$0x2] =	stream.indirect.gather [hbm4b:s2+s6], $0x80, s10, s6, $0xb8;
	[tilespmem:$0x8200] =	vst v63  }
0x2c: {  	_ =	swait.ge [sflag:s14], $0x4000  }
0x2d: {  	[sflag:s14] =	ssyncset.done $0x0  }
0x2e: {  	s19 =	ssub.s32 $0x2, s19;
	s18 =	sadd.s32 $0x1000, s16;
	[sflag:s14] =	ssyncadd.s32 $0xFFFFC000  }
0x2f: {  	[hbm4b:s18+s3] =	stream.linear.scatter [tilespmem:s12], [sflag:$0x3], $0x4000, $0x38;
	[tilespmem:$0x8200] =	vst v63  }
0x30: {  	s20 =	sshrl.u32 s19, $0x1;
	_ =	swait.ge [sflag:s15], $0x4000  }
0x31: {  	s19 =	ssub.s32 s19, s20;
	[sflag:s15] =	ssyncset.done $0x0  }
0x32: {  	s20 =	smax.u32 s19, $0x1;
	[sflag:s15] =	ssyncadd.s32 $0xFFFFC000  }
0x33: {  	p0 =	sne.s32 s20, $0x1;
	_ =	swait.ge [sflag:s14], $0x4000  }
.Ltmp0:
0x34: {  	[sflag:s14] =	ssyncset.done $0x0;
	(pc) =	sbr.rel @!p0 .LBB2_2-.Ltmp0, $4  }
0x35: {  	s19 =	sadd.s32 $0x1800, s16;
	[sflag:s14] =	ssyncadd.s32 $0xFFFFC000  }
0x36: {  	[hbm4b:s19+s3] =	stream.linear.scatter [tilespmem:s13], [sflag:$0x3], $0x4000, $0x38;
	[tilespmem:$0x8200] =	vst v63  }
0x37: {  	_ =	swait.ge [sflag:s15], $0x4000  }
0x38: {  	s20 =	sadd.s32 $0xFFFFFFFF, s20;
	[sflag:s15] =	ssyncset.done $0x0  }
.LBB2_1:
0x39: {  	p0 =	sne.s32 s20, $0x1;
	s20 =	sadd.s32 $0xFFFFFFFF, s20;
	[sflag:s15] =	ssyncadd.s32 $0xFFFFC000  }
0x3a: {  	[tilespmem:s3], [sflag:$0x1] =	stream.linear.gather [hbm4b:s4+s3], $0x80, $0x38;
	[tilespmem:$0x8200] =	vst v63  }
0x3b: {  	_ = 	snop  }
0x3c: {  	[tilespmem:s6], [sflag:$0x1] =	stream.linear.gather [hbm4b:s5+s3], $0x80, $0x38;
	[tilespmem:$0x8200] =	vst v63  }
0x3d: {  	_ = 	snop  }
0x3e: {  	[tilespmem:s8], [sflag:$0x1] =	stream.linear.gather [hbm4b:s7+s3], $0x80, $0x38;
	[tilespmem:$0x8200] =	vst v63  }
0x3f: {  	_ = 	snop  }
0x40: {  	[tilespmem:s10], [sflag:$0x1] =	stream.linear.gather [hbm4b:s9+s3], $0x80, $0x38;
	[tilespmem:$0x8200] =	vst v63  }
0x41: {  	_ =	swait.ge [sflag:s11], $0x80  }
0x42: {  	[sflag:s11] =	ssyncset.done $0x0  }
0x43: {  	[sflag:s11] =	ssyncadd.s32 $0xFFFFFF80  }
0x44: {  	[tilespmem:s12], [sflag:$0x2] =	stream.indirect.gather [hbm4b:s2+s6], $0x80, s3, s6, $0xb8;
	[tilespmem:$0x8200] =	vst v63  }
0x45: {  	_ =	swait.ge [sflag:s11], $0x80  }
0x46: {  	[sflag:s11] =	ssyncset.done $0x0  }
0x47: {  	[sflag:s11] =	ssyncadd.s32 $0xFFFFFF80  }
0x48: {  	[tilespmem:s13], [sflag:$0x2] =	stream.indirect.gather [hbm4b:s2+s6], $0x80, s6, s6, $0xb8;
	[tilespmem:$0x8200] =	vst v63  }
0x49: {  	_ =	swait.ge [sflag:s14], $0x4000  }
0x4a: {  	[sflag:s14] =	ssyncset.done $0x0  }
0x4b: {  	[sflag:s14] =	ssyncadd.s32 $0xFFFFC000  }
0x4c: {  	[hbm4b:s16+s3] =	stream.linear.scatter [tilespmem:s12], [sflag:$0x3], $0x4000, $0x38;
	[tilespmem:$0x8200] =	vst v63  }
0x4d: {  	_ =	swait.ge [sflag:s15], $0x4000  }
0x4e: {  	[sflag:s15] =	ssyncset.done $0x0  }
0x4f: {  	[sflag:s15] =	ssyncadd.s32 $0xFFFFC000  }
0x50: {  	_ =	swait.ge [sflag:s11], $0x80  }
0x51: {  	[sflag:s11] =	ssyncset.done $0x0  }
0x52: {  	[sflag:s11] =	ssyncadd.s32 $0xFFFFFF80  }
0x53: {  	[tilespmem:s12], [sflag:$0x2] =	stream.indirect.gather [hbm4b:s2+s6], $0x80, s8, s6, $0xb8;
	[tilespmem:$0x8200] =	vst v63  }
0x54: {  	_ =	swait.ge [sflag:s14], $0x4000  }
0x55: {  	[sflag:s14] =	ssyncset.done $0x0  }
0x56: {  	[sflag:s14] =	ssyncadd.s32 $0xFFFFC000  }
0x57: {  	[hbm4b:s17+s3] =	stream.linear.scatter [tilespmem:s13], [sflag:$0x3], $0x4000, $0x38;
	[tilespmem:$0x8200] =	vst v63  }
0x58: {  	_ =	swait.ge [sflag:s15], $0x4000  }
0x59: {  	[sflag:s15] =	ssyncset.done $0x0  }
0x5a: {  	[sflag:s15] =	ssyncadd.s32 $0xFFFFC000  }
0x5b: {  	_ =	swait.ge [sflag:s11], $0x80  }
0x5c: {  	[sflag:s11] =	ssyncset.done $0x0  }
0x5d: {  	[sflag:s11] =	ssyncadd.s32 $0xFFFFFF80  }
0x5e: {  	[tilespmem:s13], [sflag:$0x2] =	stream.indirect.gather [hbm4b:s2+s6], $0x80, s10, s6, $0xb8;
	[tilespmem:$0x8200] =	vst v63  }
0x5f: {  	_ =	swait.ge [sflag:s14], $0x4000  }
0x60: {  	[sflag:s14] =	ssyncset.done $0x0  }
0x61: {  	[sflag:s14] =	ssyncadd.s32 $0xFFFFC000  }
0x62: {  	[hbm4b:s18+s3] =	stream.linear.scatter [tilespmem:s12], [sflag:$0x3], $0x4000, $0x38;
	[tilespmem:$0x8200] =	vst v63  }
0x63: {  	_ =	swait.ge [sflag:s15], $0x4000  }
0x64: {  	[sflag:s15] =	ssyncset.done $0x0  }
0x65: {  	[sflag:s15] =	ssyncadd.s32 $0xFFFFC000  }
0x66: {  	_ =	swait.ge [sflag:s14], $0x4000  }
.Ltmp1:
0x67: {  	[sflag:s14] =	ssyncset.done $0x0;
	(pc) =	sbr.rel @p0 .LBB2_1-.Ltmp1, $4  }
0x68: {  	[sflag:s14] =	ssyncadd.s32 $0xFFFFC000  }
0x69: {  	[hbm4b:s19+s3] =	stream.linear.scatter [tilespmem:s13], [sflag:$0x3], $0x4000, $0x38;
	[tilespmem:$0x8200] =	vst v63  }
0x6a: {  	_ =	swait.ge [sflag:s15], $0x4000  }
0x6b: {  	[sflag:s15] =	ssyncset.done $0x0  }
.LBB2_2:
0x6c: {  	[sflag:s15] =	ssyncadd.s32 $0xFFFFC000  }
0x6d: {  	_ =	sfence.sel $0x180000  }
0x6e: {  	[bflag:$0x0] =	sbarrier.arrive $0xFFFF  }
0x6f: {  	p0 =	sne.s32 s0, $0x0;
	_ =	strace $0x90000047  }
0x70: {  	s0 =	sadd.s32 @!p0 $0x100000, s1;
	[bflag:$0x2] =	sbarrier.arrive $0xFFFF  }
0x71: {  	[sflag:s0] =	ssyncadd.tile.s32 @!p0 $0x1;
	_ =	shalt  }
.Lfunc_end2:
_tile_overlayer_lowered:
.L_overlay_start_2:
0x72: {  	(tag) =	ssettag $0x2  }
0x73: {  	s0 =	rddreg [dreg:$0x0];
	s2 =	stileid.u32  }
0x74: {  	s1 =	rddreg [dreg:$0x1];
	p0 =	sne.s32 s2, $0x0  }
0x75: {  	s3 =	rddreg [dreg:$0x2];
	[bflag:$0x3] =	sbarrier.arrive $0xFFFF;
	s2 =	simm.s32 @!p0 $0x1C04  }
0x76: {  	[timem:s3], [sflag:s2] =	dma.local @!p0 [hbm:s0], s1  }
0x77: {  	s0 =	simm.s32 @!p0 $0x4  }
0x78: {  	_ =	swait.ge @!p0 [sflag:s0], s1  }
0x79: {  	s1 =	ssub.s32 @!p0 $0x0, s1;
	[sflag:s0] =	ssyncset.done @!p0 $0x0  }
0x7a: {  	[sflag:s0] =	ssyncadd.s32 @!p0 s1  }
0x7b: {  	[bflag:$0x3] =	sbarrier.arrive $0xFFFF  }
0x7c: {  	_ =	shalt  }

</sc_bundles>
